<compile_context>
chip_gen: v7x
topology: tpu7x:2x2x1
jax: 0.10.2.dev20260603
libtpu: 0.0.44.dev20260713+nightly
codegen_flags: <defaults>
</compile_context>

<pallas_src>
import functools

import jax
import jax.numpy as jnp
from jax import lax
from jax.experimental import pallas as pl
from jax.experimental.pallas import tpu as pltpu
from jax.experimental.pallas import tpu_sc as plsc

K_NN = 16
PAD_TGT = 1
BIG = 1e30
NEG = -10000.0

Q = 512
D = 64
N = 100000
BK = 2048
G = 256
NB = (N + BK - 1) // BK

NC, NS, L = 2, 16, 16
NW = NC * NS
CH = 3136
NPADV = NW * CH
HASH = 1 << 14
HMASK = HASH - 1
SLOTS = 256
CAP = SLOTS - L
NPAIR = NW * SLOTS
MROWS = 2 * NPAIR
MB = MROWS // BK
NSTEP = NB + MB


def _route_body(vals_hbm, tgt_hbm, zeros_hbm, keys2_hbm,
                kg_hbm, vg0_hbm, vg1_hbm,
                table, vch, tg, idxb, vb0, vb1, rows, sem):
    wid = lax.axis_index("s") * NC + lax.axis_index("c")
    base = wid * CH
    pltpu.sync_copy(vals_hbm.at[pl.ds(base, CH)], vch)
    pltpu.sync_copy(tgt_hbm, tg)
    pltpu.sync_copy(zeros_hbm, table)

    one = jnp.ones((L,), jnp.int32)
    tmask = jnp.ones((L,), jnp.bool_)
    zeros = jnp.zeros((L,), jnp.int32)
    neg1 = jnp.full((L,), -1, jnp.int32)

    def _mark(i, c):
        tv = tg[pl.ds(i * L, L)]
        plsc.store_scatter(table, [tv & HMASK], one, mask=tmask)
        return c
    lax.fori_loop(0, Q // L, _mark, 0)

    def _initbuf(i, c):
        idxb[pl.ds(i * L, L)] = zeros
        vb0[pl.ds(i * L, L)] = neg1
        vb1[pl.ds(i * L, L)] = neg1
        return c
    lax.fori_loop(0, SLOTS // L, _initbuf, 0)

    lanes = lax.iota(jnp.int32, L)

    def _filter(j, cur):
        vv = vch[pl.ds(j * L, L)]
        flags = plsc.load_gather(table, [jnp.maximum(vv, 0) & HMASK],
                                 mask=tmask)
        pos = base + j * L + lanes
        mask = (flags > 0) & (vv >= 0) & (cur < CAP)
        curc = jnp.minimum(cur, CAP)
        plsc.store_compressed(idxb.at[pl.ds(curc, L)],
                              lax.shift_right_logical(pos, 1), mask=mask)
        cnt = plsc.all_reduce_population_count(mask)
        return cur + jnp.max(cnt)
    nfill = lax.fori_loop(0, CH // L, _filter, jnp.int32(0))

    lbase = wid * (CH // 2)

    def _pairvals(i, c):
        pv = idxb[pl.ds(i * L, L)]
        loc = jnp.clip((pv - lbase) * 2, 0, CH - 2)
        v0 = plsc.load_gather(vch, [loc], mask=tmask)
        v1 = plsc.load_gather(vch, [loc + 1], mask=tmask)
        used = (i * L + lanes) < nfill
        vb0[pl.ds(i * L, L)] = jnp.where(used, v0, -1)
        vb1[pl.ds(i * L, L)] = jnp.where(used, v1, -1)
        return c
    lax.fori_loop(0, SLOTS // L, _pairvals, 0)

    for b in range(SLOTS // 128):
        pltpu.async_copy(keys2_hbm.at[idxb.at[pl.ds(b * 128, 128)]],
                         rows.at[pl.ds(b * 128, 128)], sem).wait()

    out_base = wid * SLOTS
    pltpu.sync_copy(rows, kg_hbm.at[pl.ds(out_base, SLOTS)])
    pltpu.sync_copy(vb0, vg0_hbm.at[pl.ds(out_base, SLOTS)])
    pltpu.sync_copy(vb1, vg1_hbm.at[pl.ds(out_base, SLOTS)])


@jax.jit
def _route(vals_p, tgt_flat, zeros_i, keys2):
    mesh = plsc.VectorSubcoreMesh(core_axis_name="c", subcore_axis_name="s",
                                  num_cores=NC, num_subcores=NS)
    return pl.kernel(
        _route_body,
        out_type=[jax.ShapeDtypeStruct((NPAIR, 2 * D), jnp.float32),
                  jax.ShapeDtypeStruct((NPAIR,), jnp.int32),
                  jax.ShapeDtypeStruct((NPAIR,), jnp.int32)],
        mesh=mesh,
        scratch_types=[
            pltpu.VMEM((HASH,), jnp.int32),
            pltpu.VMEM((CH,), jnp.int32),
            pltpu.VMEM((Q,), jnp.int32),
            pltpu.VMEM((SLOTS,), jnp.int32),
            pltpu.VMEM((SLOTS,), jnp.int32),
            pltpu.VMEM((SLOTS,), jnp.int32),
            pltpu.VMEM((SLOTS, 2 * D), jnp.float32),
            pltpu.SemaphoreType.DMA,
        ],
        compiler_params=pltpu.CompilerParams(needs_layout_passes=False),
    )(vals_p, tgt_flat, zeros_i, keys2)


def _dots(qm2, k):
    return lax.dot_general(qm2, k, (((1,), (1,)), ((), ())),
                           precision=lax.Precision.HIGHEST,
                           preferred_element_type=jnp.float32)


def _fold(x):
    while x.shape[1] > G:
        h = x.shape[1] // 2
        x = jnp.minimum(x[:, :h], x[:, h:])
    return x


def _body(qm2_ref, keys_ref, kn_ref, kg_ref, kng_ref, vg_ref, t_ref,
          out_ref, m1, m2, m1m):
    i = pl.program_id(0)

    @pl.when(i == 0)
    def _init():
        full = jnp.full((Q, G), BIG, jnp.float32)
        m1[...] = full
        m2[...] = full
        m1m[...] = full

    @pl.when(i < NB)
    def _dense():
        valid = N - i * BK
        k = keys_ref[...]
        rows = lax.broadcasted_iota(jnp.int32, (BK, D), 0)
        k = jnp.where(rows < valid, k, 0.0)
        s = _dots(qm2_ref[...], k) + kn_ref[0]
        sf = _fold(s)
        c1 = m1[...]
        m1[...] = jnp.minimum(c1, sf)
        m2[...] = jnp.minimum(m2[...], jnp.maximum(sf, c1))

    @pl.when(i >= NB)
    def _match():
        s = _dots(qm2_ref[...], kg_ref[...]) + kng_ref[0]
        match = vg_ref[0] == t_ref[...]
        dm = jnp.where(match, s, BIG)
        m1m[...] = jnp.minimum(m1m[...], _fold(dm))

    @pl.when(i == NSTEP - 1)
    def _finish():
        pool = jnp.concatenate([m1[...], m2[...]], axis=1)
        vs = []
        for _ in range(K_NN):
            mn = jnp.min(pool, axis=1, keepdims=True)
            vs.append(mn)
            pool = jnp.where(pool == mn, BIG, pool)
        mhat = vs[K_NN - 1]
        w = functools.reduce(jnp.add, [jnp.exp(v - mhat) for v in vs])
        poolm = m1m[...]
        contrib = jnp.where(poolm <= mhat,
                            jnp.exp(jnp.minimum(poolm - mhat, 0.0)), 0.0)
        wm = jnp.sum(contrib, axis=1, keepdims=True)
        yhat = jnp.where(wm > 0, jnp.log(wm) - jnp.log(w), NEG)
        yhat = jnp.where(t_ref[...] == PAD_TGT, NEG, yhat)
        out_ref[...] = yhat


@jax.jit
def _run(qm2, keys, kn_r, kg, kng_r, vg_r, t):
    return pl.pallas_call(
        _body,
        grid=(NSTEP,),
        in_specs=[
            pl.BlockSpec((Q, D), lambda i: (0, 0)),
            pl.BlockSpec((BK, D), lambda i: (jnp.minimum(i, NB - 1), 0)),
            pl.BlockSpec((1, 1, BK), lambda i: (jnp.minimum(i, NB - 1), 0, 0)),
            pl.BlockSpec((BK, D), lambda i: (jnp.maximum(i - NB, 0), 0)),
            pl.BlockSpec((1, 1, BK), lambda i: (jnp.maximum(i - NB, 0), 0, 0)),
            pl.BlockSpec((1, 1, BK), lambda i: (jnp.maximum(i - NB, 0), 0, 0)),
            pl.BlockSpec((Q, 1), lambda i: (0, 0)),
        ],
        out_specs=pl.BlockSpec((Q, 1), lambda i: (0, 0)),
        out_shape=jax.ShapeDtypeStruct((Q, 1), jnp.float32),
        scratch_shapes=[pltpu.VMEM((Q, G), jnp.float32)] * 3,
        compiler_params=pltpu.CompilerParams(
            dimension_semantics=("arbitrary",),
        ),
    )(qm2, keys, kn_r, kg, kng_r, vg_r, t)


def kernel(queries, tgt, keys, vals):
    qshape = queries.shape
    qm2 = queries.reshape(-1, qshape[-1]).astype(jnp.float32) * jnp.float32(-2.0)
    tgt_flat = tgt.reshape(-1).astype(jnp.int32)
    t = tgt_flat.reshape(-1, 1)
    vals_p = jnp.pad(vals.astype(jnp.int32), (0, NPADV - N), constant_values=-1)
    keys32 = keys.astype(jnp.float32)
    kn = jnp.pad(jnp.sum(keys32 * keys32, axis=1), (0, NB * BK - N),
                 constant_values=BIG).reshape(NB, 1, BK)
    zeros_i = jnp.zeros((HASH,), jnp.int32)
    kg2, vg0, vg1 = _route(vals_p, tgt_flat, zeros_i, keys32.reshape(N // 2, 2 * D))
    kg = kg2.reshape(MROWS, D)
    kng = jnp.sum(kg * kg, axis=1).reshape(MB, 1, BK)
    vg = jnp.stack([vg0, vg1], axis=1).reshape(MB, 1, BK)
    out = _run(qm2, keys32, kn, kg, kng, vg, t)
    return out.reshape(qshape[0], qshape[1], 1)

# --- scband reference (transcript-rebuilt; emitter-appended) ---
"""Pipeline reference for scband-datastore-58737972740818 (READ-ONLY COPY).

The authoritative reference and input builder live on the scoring server;
editing this copy changes nothing except your own understanding.
"""

import jax, jax.numpy as jnp
import numpy as np

K_NEIGHBORS = 16
PAD_IDX = 1


def setup_inputs(seed: int = 0) -> dict:
    key = jax.random.key(seed)
    k1, k2, k3, k4 = jax.random.split(key, 4)
    queries = jax.random.normal(k1, (8, 64, 64), dtype=jnp.float32)
    tgt = jax.random.randint(k2, (8, 64), 0, 100000, dtype=jnp.int64)
    keys = jax.random.normal(k3, (100000, 64), dtype=jnp.float32)
    vals = jax.random.randint(k4, (100000,), 0, 100000, dtype=jnp.int64)
    return {"queries": queries, "tgt": tgt, "keys": keys, "vals": vals}


def reference(queries, tgt, keys, vals):
    # Faithful brute-force translation of Datastore.get_knn_log_prob:
    # faiss IndexFlatL2-style search (squared L2, ascending) replaced by exact top-k.
    qshape = queries.shape
    q = queries.reshape(-1, qshape[-1])
    t = tgt.reshape(-1)
    # squared L2 distances [Q, N]
    q_norm = jnp.sum(q * q, axis=1, keepdims=True)
    k_norm = jnp.sum(keys * keys, axis=1)
    dots = jnp.dot(q, keys.T)
    d2 = q_norm + k_norm[None, :] - 2.0 * dots
    # faiss returns k smallest distances
    neg_top, knns = jax.lax.top_k(-d2, K_NEIGHBORS)
    dists = -neg_top  # [Q, k], ascending squared L2
    probs = jax.nn.log_softmax(dists.astype(jnp.float32), axis=-1)
    nn_vals = jnp.take(vals, knns, axis=0)  # [Q, k]
    index_mask = jnp.where(nn_vals == t[:, None], 0.0, -10000.0).astype(jnp.float32)
    yhat_knn_prob = jax.scipy.special.logsumexp(probs + index_mask, axis=-1)
    # positions where tgt == pad_idx get -10000 (matches full_yhat_knn_prob init)
    full = jnp.where(t == PAD_IDX, jnp.float32(-10000.0), yhat_knn_prob)
    return full.reshape(qshape[0], qshape[1], 1)

if __name__ == "__main__":
    import jax
    _d = setup_inputs()
    print(jax.jit(kernel)(*tuple(_d.values())))

</pallas_src>

<mosaic_0001>
#map = affine_map<(d0, d1) -> (0)>
#map1 = affine_map<(d0, d1) -> (0, 0)>
module attributes {stable_mosaic.version = 14 : i64} {
  func.func @_route_body(%arg0: i32, %arg1: i32, %arg2: memref<100352xi32, #tpu.memory_space<hbm>>, %arg3: memref<512xi32, #tpu.memory_space<hbm>>, %arg4: memref<16384xi32, #tpu.memory_space<hbm>>, %arg5: memref<50000x128xf32, #tpu.memory_space<hbm>>, %arg6: memref<8192x128xf32, #tpu.memory_space<hbm>>, %arg7: memref<8192xi32, #tpu.memory_space<hbm>>, %arg8: memref<8192xi32, #tpu.memory_space<hbm>>, %arg9: memref<16384xi32, #tpu.memory_space<vmem>>, %arg10: memref<3136xi32, #tpu.memory_space<vmem>>, %arg11: memref<512xi32, #tpu.memory_space<vmem>>, %arg12: memref<256xi32, #tpu.memory_space<vmem>>, %arg13: memref<256xi32, #tpu.memory_space<vmem>>, %arg14: memref<256xi32, #tpu.memory_space<vmem>>, %arg15: memref<256x128xf32, #tpu.memory_space<vmem>>, %arg16: memref<!tpu.dma_semaphore, #tpu.memory_space<semaphore_mem>>) attributes {dimension_semantics = [#tpu.dimension_semantics<core_parallel>, #tpu.dimension_semantics<subcore_parallel>], iteration_bounds = array<i64: 2, 16>, scalar_prefetch = 0 : i64, scratch_operands = 8 : i64, tpu.core_type = #tpu.core_type<sc_vector_subcore>, window_params = [{transform_indices = #map}, {transform_indices = #map}, {transform_indices = #map}, {transform_indices = #map1}, {transform_indices = #map1}, {transform_indices = #map}, {transform_indices = #map}]} {
    %mul3A = arith.constant 2 : i32
    %mul3A_0 = arith.muli %arg1, %mul3A : i32
    %add3A = arith.addi %mul3A_0, %arg0 : i32
    %mul3A_1 = arith.constant 3136 : i32
    %mul3A_2 = arith.muli %add3A, %mul3A_1 : i32
    "tpu.region"() ({
      %run_scoped3A = tpu.sem_alloc : memref<!tpu.dma_semaphore, #tpu.memory_space<semaphore_mem>>
      %dma_start3A_68 = tpu.memref_slice %arg2[%mul3A_2] : memref<100352xi32, #tpu.memory_space<hbm>> -> memref<3136xi32, #tpu.memory_space<hbm>>
      %dma_start3A_69 = tpu.memref_slice %arg2[%mul3A_2] : memref<100352xi32, #tpu.memory_space<hbm>> -> memref<3136xi32, #tpu.memory_space<hbm>>
      tpu.enqueue_dma source(%dma_start3A_69 : memref<3136xi32, #tpu.memory_space<hbm>>) target(%arg10 : memref<3136xi32, #tpu.memory_space<vmem>>) target_semaphore(%run_scoped3A : memref<!tpu.dma_semaphore, #tpu.memory_space<semaphore_mem>>)
      %dma_wait3A_70 = tpu.memref_slice %arg2[%mul3A_2] : memref<100352xi32, #tpu.memory_space<hbm>> -> memref<3136xi32, #tpu.memory_space<hbm>>
      %dma_wait3A_71 = tpu.memref_slice %arg2[%mul3A_2] : memref<100352xi32, #tpu.memory_space<hbm>> -> memref<3136xi32, #tpu.memory_space<hbm>>
      tpu.wait_dma2 semaphore(%run_scoped3A : memref<!tpu.dma_semaphore, #tpu.memory_space<semaphore_mem>>) src(%dma_wait3A_71 : memref<3136xi32, #tpu.memory_space<hbm>>) dst(%arg10 : memref<3136xi32, #tpu.memory_space<vmem>>)
      tpu.yield
    }) : () -> ()
    "tpu.region"() ({
      %run_scoped3A = tpu.sem_alloc : memref<!tpu.dma_semaphore, #tpu.memory_space<semaphore_mem>>
      tpu.enqueue_dma source(%arg3 : memref<512xi32, #tpu.memory_space<hbm>>) target(%arg11 : memref<512xi32, #tpu.memory_space<vmem>>) target_semaphore(%run_scoped3A : memref<!tpu.dma_semaphore, #tpu.memory_space<semaphore_mem>>)
      tpu.wait_dma2 semaphore(%run_scoped3A : memref<!tpu.dma_semaphore, #tpu.memory_space<semaphore_mem>>) src(%arg3 : memref<512xi32, #tpu.memory_space<hbm>>) dst(%arg11 : memref<512xi32, #tpu.memory_space<vmem>>)
      tpu.yield
    }) : () -> ()
    "tpu.region"() ({
      %run_scoped3A = tpu.sem_alloc : memref<!tpu.dma_semaphore, #tpu.memory_space<semaphore_mem>>
      tpu.enqueue_dma source(%arg4 : memref<16384xi32, #tpu.memory_space<hbm>>) target(%arg9 : memref<16384xi32, #tpu.memory_space<vmem>>) target_semaphore(%run_scoped3A : memref<!tpu.dma_semaphore, #tpu.memory_space<semaphore_mem>>)
      tpu.wait_dma2 semaphore(%run_scoped3A : memref<!tpu.dma_semaphore, #tpu.memory_space<semaphore_mem>>) src(%arg4 : memref<16384xi32, #tpu.memory_space<hbm>>) dst(%arg9 : memref<16384xi32, #tpu.memory_space<vmem>>)
      tpu.yield
    }) : () -> ()
    %broadcast_in_dim3A = arith.constant 1 : i32
    %broadcast_in_dim3A_3 = vector.broadcast %broadcast_in_dim3A : i32 to vector<16xi32>
    %broadcast_in_dim3A_4 = arith.constant true
    %broadcast_in_dim3A_5 = vector.broadcast %broadcast_in_dim3A_4 : i1 to vector<16xi1>
    %broadcast_in_dim3A_6 = arith.constant 0 : i32
    %broadcast_in_dim3A_7 = vector.broadcast %broadcast_in_dim3A_6 : i32 to vector<16xi32>
    %broadcast_in_dim3A_8 = arith.constant -1 : i32
    %broadcast_in_dim3A_9 = vector.broadcast %broadcast_in_dim3A_8 : i32 to vector<16xi32>
    %scan3A = arith.constant 0 : i32
    %scan3A_10 = arith.constant 0 : i32
    %scan3A_11 = arith.constant 32 : i32
    %scan3A_12 = arith.addi %scan3A_10, %scan3A_11 : i32
    %scan3A_13 = arith.constant 1 : i32
    scf.for %scan3A_68 = %scan3A_10 to %scan3A_12 step %scan3A_13  : i32 {
      %mul3A_69 = arith.constant 16 : i32
      %mul3A_70 = arith.muli %scan3A_68, %mul3A_69 : i32
      %get3A = arith.index_cast %mul3A_70 : i32 to index
      %get3A_71 = tpu.vector_load %arg11[%get3A] {strides = array<i32>} : memref<512xi32, #tpu.memory_space<vmem>>, vector<16xi32>,
      %and3A = arith.constant 16383 : i32
      %and3A_72 = vector.broadcast %and3A : i32 to vector<16xi32>
      %and3A_73 = arith.andi %get3A_71, %and3A_72 : vector<16xi32>
      tpu.vector_store_idx %arg9[%and3A_73], %broadcast_in_dim3A_3 masked %broadcast_in_dim3A_5 : memref<16384xi32, #tpu.memory_space<vmem>>[vector<16xi32>], vector<16xi32>, vector<16xi1>
    }
    %scan3A_14 = arith.constant 32 : i32
    %scan3A_15 = arith.constant 0 : i32
    %scan3A_16 = arith.constant 0 : i32
    %scan3A_17 = arith.constant 16 : i32
    %scan3A_18 = arith.addi %scan3A_16, %scan3A_17 : i32
    %scan3A_19 = arith.constant 1 : i32
    scf.for %scan3A_68 = %scan3A_16 to %scan3A_18 step %scan3A_19  : i32 {
      %mul3A_69 = arith.constant 16 : i32
      %mul3A_70 = arith.muli %scan3A_68, %mul3A_69 : i32
      %swap3A = arith.index_cast %mul3A_70 : i32 to index
      %swap3A_71 = tpu.vector_load %arg12[%swap3A] {strides = array<i32>} : memref<256xi32, #tpu.memory_space<vmem>>, vector<16xi32>,
      tpu.vector_store %arg12[%swap3A], %broadcast_in_dim3A_7 {strides = array<i32>} : memref<256xi32, #tpu.memory_space<vmem>>, vector<16xi32>,
      %mul3A_72 = arith.constant 16 : i32
      %mul3A_73 = arith.muli %scan3A_68, %mul3A_72 : i32
      %swap3A_74 = arith.index_cast %mul3A_73 : i32 to index
      %swap3A_75 = tpu.vector_load %arg13[%swap3A_74] {strides = array<i32>} : memref<256xi32, #tpu.memory_space<vmem>>, vector<16xi32>,
      tpu.vector_store %arg13[%swap3A_74], %broadcast_in_dim3A_9 {strides = array<i32>} : memref<256xi32, #tpu.memory_space<vmem>>, vector<16xi32>,
      %mul3A_76 = arith.constant 16 : i32
      %mul3A_77 = arith.muli %scan3A_68, %mul3A_76 : i32
      %swap3A_78 = arith.index_cast %mul3A_77 : i32 to index
      %swap3A_79 = tpu.vector_load %arg14[%swap3A_78] {strides = array<i32>} : memref<256xi32, #tpu.memory_space<vmem>>, vector<16xi32>,
      tpu.vector_store %arg14[%swap3A_78], %broadcast_in_dim3A_9 {strides = array<i32>} : memref<256xi32, #tpu.memory_space<vmem>>, vector<16xi32>,
    }
    %scan3A_20 = arith.constant 16 : i32
    %iota3A = tpu.iota {dimensions = array<i32: 0>} : vector<16xi32>
    %scan3A_21 = arith.constant 0 : i32
    %scan3A_22 = arith.constant 0 : i32
    %scan3A_23 = arith.constant 196 : i32
    %scan3A_24 = arith.addi %scan3A_22, %scan3A_23 : i32
    %scan3A_25 = arith.constant 1 : i32
    %scan3A_26 = scf.for %scan3A_68 = %scan3A_22 to %scan3A_24 step %scan3A_25 iter_args(%scan3A_69 = %scan3A_21) -> (i32)  : i32 {
      %mul3A_70 = arith.constant 16 : i32
      %mul3A_71 = arith.muli %scan3A_68, %mul3A_70 : i32
      %get3A = arith.index_cast %mul3A_71 : i32 to index
      %get3A_72 = tpu.vector_load %arg10[%get3A] {strides = array<i32>} : memref<3136xi32, #tpu.memory_space<vmem>>, vector<16xi32>,
      %max3A = arith.constant 0 : i32
      %max3A_73 = vector.broadcast %max3A : i32 to vector<16xi32>
      %max3A_74 = arith.maxsi %get3A_72, %max3A_73 : vector<16xi32>
      %and3A = arith.constant 16383 : i32
      %and3A_75 = vector.broadcast %and3A : i32 to vector<16xi32>
      %and3A_76 = arith.andi %max3A_74, %and3A_75 : vector<16xi32>
      %gather3A = tpu.vector_load_idx %arg9[%and3A_76] masked %broadcast_in_dim3A_5 : memref<16384xi32, #tpu.memory_space<vmem>>[vector<16xi32>], vector<16xi32>, vector<16xi1>
      %mul3A_77 = arith.constant 16 : i32
      %mul3A_78 = arith.muli %scan3A_68, %mul3A_77 : i32
      %add3A_79 = arith.addi %mul3A_2, %mul3A_78 : i32
      %add3A_80 = vector.broadcast %add3A_79 : i32 to vector<16xi32>
      %add3A_81 = arith.addi %add3A_80, %iota3A : vector<16xi32>
      %gt3A = arith.constant 0 : i32
      %gt3A_82 = vector.broadcast %gt3A : i32 to vector<16xi32>
      %gt3A_83 = arith.cmpi sgt, %gather3A, %gt3A_82 : vector<16xi32>
      %ge3A = arith.constant 0 : i32
      %ge3A_84 = vector.broadcast %ge3A : i32 to vector<16xi32>
      %ge3A_85 = arith.cmpi sge, %get3A_72, %ge3A_84 : vector<16xi32>
      %and3A_86 = arith.andi %gt3A_83, %ge3A_85 : vector<16xi1>
      %lt3A = arith.constant 240 : i32
      %lt3A_87 = arith.cmpi slt, %scan3A_69, %lt3A : i32
      %and3A_88 = vector.broadcast %lt3A_87 : i1 to vector<16xi1>
      %and3A_89 = arith.andi %and3A_86, %and3A_88 : vector<16xi1>
      %min3A = arith.constant 240 : i32
      %min3A_90 = arith.minsi %scan3A_69, %min3A : i32
      %shift_right_logical3A = arith.constant 1 : i32
      %shift_right_logical3A_91 = vector.broadcast %shift_right_logical3A : i32 to vector<16xi32>
      %shift_right_logical3A_92 = arith.shrui %add3A_81, %shift_right_logical3A_91 : vector<16xi32>
      %swap3A = arith.index_cast %min3A_90 : i32 to index
      %swap3A_93 = tpu.vector_load %arg12[%swap3A] masked %and3A_89 {strides = array<i32>} : memref<256xi32, #tpu.memory_space<vmem>>, vector<16xi32>, vector<16xi1>
      tpu.vector_store %arg12[%swap3A], %shift_right_logical3A_92 masked %and3A_89 {strides = array<i32>} : memref<256xi32, #tpu.memory_space<vmem>>, vector<16xi32>, vector<16xi1>
      %all_reduce_population_count3A = tpu.all_reduce %and3A_89 {dim = 0 : i64, kind = #tpu.reduction_kind<sum>} : vector<16xi1> -> vector<16xi32>
      %reduce_max3A = arith.constant true
      %reduce_max3A_94 = vector.broadcast %reduce_max3A : i1 to vector<16xi1>
      %reduce_max3A_95 = arith.constant -2147483648 : i32
      %reduce_max3A_96 = vector.broadcast %reduce_max3A_95 : i32 to vector<16xi32>
      %reduce_max3A_97 = arith.xori %all_reduce_population_count3A, %reduce_max3A_96 : vector<16xi32>
      %reduce_max3A_98 = tpu.scan <max>, %reduce_max3A_97 masked %reduce_max3A_94 : vector<16xi32>, vector<16xi1> -> vector<16xi32>
      %reduce_max3A_99 = arith.xori %reduce_max3A_98, %reduce_max3A_96 : vector<16xi32>
      %reduce_max3A_100 = vector.extract %reduce_max3A_99[15] : i32 from vector<16xi32>
      %add3A_101 = arith.addi %scan3A_69, %reduce_max3A_100 : i32
      scf.yield %add3A_101 : i32
    }
    %scan3A_27 = arith.constant 196 : i32
    %mul3A_28 = arith.constant 1568 : i32
    %mul3A_29 = arith.muli %add3A, %mul3A_28 : i32
    %scan3A_30 = arith.constant 0 : i32
    %scan3A_31 = arith.constant 0 : i32
    %scan3A_32 = arith.constant 16 : i32
    %scan3A_33 = arith.addi %scan3A_31, %scan3A_32 : i32
    %scan3A_34 = arith.constant 1 : i32
    scf.for %scan3A_68 = %scan3A_31 to %scan3A_33 step %scan3A_34  : i32 {
      %mul3A_69 = arith.constant 16 : i32
      %mul3A_70 = arith.muli %scan3A_68, %mul3A_69 : i32
      %get3A = arith.index_cast %mul3A_70 : i32 to index
      %get3A_71 = tpu.vector_load %arg12[%get3A] {strides = array<i32>} : memref<256xi32, #tpu.memory_space<vmem>>, vector<16xi32>,
      %sub3A = vector.broadcast %mul3A_29 : i32 to vector<16xi32>
      %sub3A_72 = arith.subi %get3A_71, %sub3A : vector<16xi32>
      %mul3A_73 = arith.constant 2 : i32
      %mul3A_74 = vector.broadcast %mul3A_73 : i32 to vector<16xi32>
      %mul3A_75 = arith.muli %sub3A_72, %mul3A_74 : vector<16xi32>
      %jit3A = arith.constant 0 : i32
      %jit3A_76 = arith.constant 3134 : i32
      %max3A = vector.broadcast %jit3A : i32 to vector<16xi32>
      %max3A_77 = arith.maxsi %max3A, %mul3A_75 : vector<16xi32>
      %min3A = vector.broadcast %jit3A_76 : i32 to vector<16xi32>
      %min3A_78 = arith.minsi %min3A, %max3A_77 : vector<16xi32>
      %gather3A = tpu.vector_load_idx %arg10[%min3A_78] masked %broadcast_in_dim3A_5 : memref<3136xi32, #tpu.memory_space<vmem>>[vector<16xi32>], vector<16xi32>, vector<16xi1>
      %add3A_79 = arith.constant 1 : i32
      %add3A_80 = vector.broadcast %add3A_79 : i32 to vector<16xi32>
      %add3A_81 = arith.addi %min3A_78, %add3A_80 : vector<16xi32>
      %gather3A_82 = tpu.vector_load_idx %arg10[%add3A_81] masked %broadcast_in_dim3A_5 : memref<3136xi32, #tpu.memory_space<vmem>>[vector<16xi32>], vector<16xi32>, vector<16xi1>
      %mul3A_83 = arith.constant 16 : i32
      %mul3A_84 = arith.muli %scan3A_68, %mul3A_83 : i32
      %add3A_85 = vector.broadcast %mul3A_84 : i32 to vector<16xi32>
      %add3A_86 = arith.addi %add3A_85, %iota3A : vector<16xi32>
      %lt3A = vector.broadcast %scan3A_26 : i32 to vector<16xi32>
      %lt3A_87 = arith.cmpi slt, %add3A_86, %lt3A : vector<16xi32>
      %jit3A_88 = arith.constant -1 : i32
      %broadcast_in_dim3A_89 = vector.broadcast %jit3A_88 : i32 to vector<16xi32>
      %select_n3A = arith.select %lt3A_87, %gather3A, %broadcast_in_dim3A_89 : vector<16xi1>, vector<16xi32>
      %mul3A_90 = arith.constant 16 : i32
      %mul3A_91 = arith.muli %scan3A_68, %mul3A_90 : i32
      %swap3A = arith.index_cast %mul3A_91 : i32 to index
      %swap3A_92 = tpu.vector_load %arg13[%swap3A] {strides = array<i32>} : memref<256xi32, #tpu.memory_space<vmem>>, vector<16xi32>,
      tpu.vector_store %arg13[%swap3A], %select_n3A {strides = array<i32>} : memref<256xi32, #tpu.memory_space<vmem>>, vector<16xi32>,
      %jit3A_93 = arith.constant -1 : i32
      %broadcast_in_dim3A_94 = vector.broadcast %jit3A_93 : i32 to vector<16xi32>
      %select_n3A_95 = arith.select %lt3A_87, %gather3A_82, %broadcast_in_dim3A_94 : vector<16xi1>, vector<16xi32>
      %mul3A_96 = arith.constant 16 : i32
      %mul3A_97 = arith.muli %scan3A_68, %mul3A_96 : i32
      %swap3A_98 = arith.index_cast %mul3A_97 : i32 to index
      %swap3A_99 = tpu.vector_load %arg14[%swap3A_98] {strides = array<i32>} : memref<256xi32, #tpu.memory_space<vmem>>, vector<16xi32>,
      tpu.vector_store %arg14[%swap3A_98], %select_n3A_95 {strides = array<i32>} : memref<256xi32, #tpu.memory_space<vmem>>, vector<16xi32>,
    }
    %scan3A_35 = arith.constant 16 : i32
    %dma_start3A = arith.constant 0 : i32
    %dma_start3A_36 = arith.constant 0 : i32
    %dma_start3A_37 = tpu.memref_slice %arg15[%dma_start3A, %dma_start3A_36] : memref<256x128xf32, #tpu.memory_space<vmem>> -> memref<128x128xf32, #tpu.memory_space<vmem>>
    %dma_start3A_38 = arith.constant 0 : i32
    %dma_start3A_39 = tpu.memref_slice %arg12[%dma_start3A_38] : memref<256xi32, #tpu.memory_space<vmem>> -> memref<128xi32, #tpu.memory_space<vmem>>
    %dma_start3A_40 = arith.constant 0 : i32
    %dma_start3A_41 = arith.constant 0 : i32
    %dma_start3A_42 = tpu.memref_slice %arg5[%dma_start3A_40, %dma_start3A_41] : memref<50000x128xf32, #tpu.memory_space<hbm>> -> memref<50000x128xf32, #tpu.memory_space<hbm>>
    tpu.enqueue_indirect_dma source(%dma_start3A_42 : memref<50000x128xf32, #tpu.memory_space<hbm>>) target(%dma_start3A_37 : memref<128x128xf32, #tpu.memory_space<vmem>>) offsets(%dma_start3A_39 : memref<128xi32, #tpu.memory_space<vmem>>) semaphore(%arg16 : memref<!tpu.dma_semaphore, #tpu.memory_space<semaphore_mem>>)
    %dma_wait3A = arith.constant 0 : i32
    %dma_wait3A_43 = arith.constant 0 : i32
    %dma_wait3A_44 = tpu.memref_slice %arg15[%dma_wait3A, %dma_wait3A_43] : memref<256x128xf32, #tpu.memory_space<vmem>> -> memref<128x128xf32, #tpu.memory_space<vmem>>
    %dma_wait3A_45 = arith.constant 0 : i32
    %dma_wait3A_46 = tpu.memref_slice %arg12[%dma_wait3A_45] : memref<256xi32, #tpu.memory_space<vmem>> -> memref<128xi32, #tpu.memory_space<vmem>>
    %dma_wait3A_47 = arith.constant 0 : i32
    %dma_wait3A_48 = arith.constant 0 : i32
    %dma_wait3A_49 = tpu.memref_slice %arg5[%dma_wait3A_47, %dma_wait3A_48] : memref<50000x128xf32, #tpu.memory_space<hbm>> -> memref<50000x128xf32, #tpu.memory_space<hbm>>
    tpu.wait_indirect_dma semaphore(%arg16 : memref<!tpu.dma_semaphore, #tpu.memory_space<semaphore_mem>>) src(%dma_wait3A_49 : memref<50000x128xf32, #tpu.memory_space<hbm>>) dst(%dma_wait3A_44 : memref<128x128xf32, #tpu.memory_space<vmem>>)
    %dma_start3A_50 = arith.constant 128 : i32
    %dma_start3A_51 = arith.constant 0 : i32
    %dma_start3A_52 = tpu.memref_slice %arg15[%dma_start3A_50, %dma_start3A_51] : memref<256x128xf32, #tpu.memory_space<vmem>> -> memref<128x128xf32, #tpu.memory_space<vmem>>
    %dma_start3A_53 = arith.constant 128 : i32
    %dma_start3A_54 = tpu.memref_slice %arg12[%dma_start3A_53] : memref<256xi32, #tpu.memory_space<vmem>> -> memref<128xi32, #tpu.memory_space<vmem>>
    %dma_start3A_55 = arith.constant 0 : i32
    %dma_start3A_56 = arith.constant 0 : i32
    %dma_start3A_57 = tpu.memref_slice %arg5[%dma_start3A_55, %dma_start3A_56] : memref<50000x128xf32, #tpu.memory_space<hbm>> -> memref<50000x128xf32, #tpu.memory_space<hbm>>
    tpu.enqueue_indirect_dma source(%dma_start3A_57 : memref<50000x128xf32, #tpu.memory_space<hbm>>) target(%dma_start3A_52 : memref<128x128xf32, #tpu.memory_space<vmem>>) offsets(%dma_start3A_54 : memref<128xi32, #tpu.memory_space<vmem>>) semaphore(%arg16 : memref<!tpu.dma_semaphore, #tpu.memory_space<semaphore_mem>>)
    %dma_wait3A_58 = arith.constant 128 : i32
    %dma_wait3A_59 = arith.constant 0 : i32
    %dma_wait3A_60 = tpu.memref_slice %arg15[%dma_wait3A_58, %dma_wait3A_59] : memref<256x128xf32, #tpu.memory_space<vmem>> -> memref<128x128xf32, #tpu.memory_space<vmem>>
    %dma_wait3A_61 = arith.constant 128 : i32
    %dma_wait3A_62 = tpu.memref_slice %arg12[%dma_wait3A_61] : memref<256xi32, #tpu.memory_space<vmem>> -> memref<128xi32, #tpu.memory_space<vmem>>
    %dma_wait3A_63 = arith.constant 0 : i32
    %dma_wait3A_64 = arith.constant 0 : i32
    %dma_wait3A_65 = tpu.memref_slice %arg5[%dma_wait3A_63, %dma_wait3A_64] : memref<50000x128xf32, #tpu.memory_space<hbm>> -> memref<50000x128xf32, #tpu.memory_space<hbm>>
    tpu.wait_indirect_dma semaphore(%arg16 : memref<!tpu.dma_semaphore, #tpu.memory_space<semaphore_mem>>) src(%dma_wait3A_65 : memref<50000x128xf32, #tpu.memory_space<hbm>>) dst(%dma_wait3A_60 : memref<128x128xf32, #tpu.memory_space<vmem>>)
    %mul3A_66 = arith.constant 256 : i32
    %mul3A_67 = arith.muli %add3A, %mul3A_66 : i32
    "tpu.region"() ({
      %run_scoped3A = tpu.sem_alloc : memref<!tpu.dma_semaphore, #tpu.memory_space<semaphore_mem>>
      %dma_start3A_68 = arith.constant 0 : i32
      %dma_start3A_69 = tpu.memref_slice %arg6[%mul3A_67, %dma_start3A_68] : memref<8192x128xf32, #tpu.memory_space<hbm>> -> memref<256x128xf32, #tpu.memory_space<hbm>>
      %dma_start3A_70 = arith.constant 0 : i32
      %dma_start3A_71 = tpu.memref_slice %arg6[%mul3A_67, %dma_start3A_70] : memref<8192x128xf32, #tpu.memory_space<hbm>> -> memref<256x128xf32, #tpu.memory_space<hbm>>
      tpu.enqueue_dma source(%arg15 : memref<256x128xf32, #tpu.memory_space<vmem>>) target(%dma_start3A_71 : memref<256x128xf32, #tpu.memory_space<hbm>>) target_semaphore(%run_scoped3A : memref<!tpu.dma_semaphore, #tpu.memory_space<semaphore_mem>>)
      %dma_wait3A_72 = arith.constant 0 : i32
      %dma_wait3A_73 = tpu.memref_slice %arg6[%mul3A_67, %dma_wait3A_72] : memref<8192x128xf32, #tpu.memory_space<hbm>> -> memref<256x128xf32, #tpu.memory_space<hbm>>
      %dma_wait3A_74 = arith.constant 0 : i32
      %dma_wait3A_75 = tpu.memref_slice %arg6[%mul3A_67, %dma_wait3A_74] : memref<8192x128xf32, #tpu.memory_space<hbm>> -> memref<256x128xf32, #tpu.memory_space<hbm>>
      tpu.wait_dma2 semaphore(%run_scoped3A : memref<!tpu.dma_semaphore, #tpu.memory_space<semaphore_mem>>) src(%arg15 : memref<256x128xf32, #tpu.memory_space<vmem>>) dst(%dma_wait3A_75 : memref<256x128xf32, #tpu.memory_space<hbm>>)
      tpu.yield
    }) : () -> ()
    "tpu.region"() ({
      %run_scoped3A = tpu.sem_alloc : memref<!tpu.dma_semaphore, #tpu.memory_space<semaphore_mem>>
      %dma_start3A_68 = tpu.memref_slice %arg7[%mul3A_67] : memref<8192xi32, #tpu.memory_space<hbm>> -> memref<256xi32, #tpu.memory_space<hbm>>
      %dma_start3A_69 = tpu.memref_slice %arg7[%mul3A_67] : memref<8192xi32, #tpu.memory_space<hbm>> -> memref<256xi32, #tpu.memory_space<hbm>>
      tpu.enqueue_dma source(%arg13 : memref<256xi32, #tpu.memory_space<vmem>>) target(%dma_start3A_69 : memref<256xi32, #tpu.memory_space<hbm>>) target_semaphore(%run_scoped3A : memref<!tpu.dma_semaphore, #tpu.memory_space<semaphore_mem>>)
      %dma_wait3A_70 = tpu.memref_slice %arg7[%mul3A_67] : memref<8192xi32, #tpu.memory_space<hbm>> -> memref<256xi32, #tpu.memory_space<hbm>>
      %dma_wait3A_71 = tpu.memref_slice %arg7[%mul3A_67] : memref<8192xi32, #tpu.memory_space<hbm>> -> memref<256xi32, #tpu.memory_space<hbm>>
      tpu.wait_dma2 semaphore(%run_scoped3A : memref<!tpu.dma_semaphore, #tpu.memory_space<semaphore_mem>>) src(%arg13 : memref<256xi32, #tpu.memory_space<vmem>>) dst(%dma_wait3A_71 : memref<256xi32, #tpu.memory_space<hbm>>)
      tpu.yield
    }) : () -> ()
    "tpu.region"() ({
      %run_scoped3A = tpu.sem_alloc : memref<!tpu.dma_semaphore, #tpu.memory_space<semaphore_mem>>
      %dma_start3A_68 = tpu.memref_slice %arg8[%mul3A_67] : memref<8192xi32, #tpu.memory_space<hbm>> -> memref<256xi32, #tpu.memory_space<hbm>>
      %dma_start3A_69 = tpu.memref_slice %arg8[%mul3A_67] : memref<8192xi32, #tpu.memory_space<hbm>> -> memref<256xi32, #tpu.memory_space<hbm>>
      tpu.enqueue_dma source(%arg14 : memref<256xi32, #tpu.memory_space<vmem>>) target(%dma_start3A_69 : memref<256xi32, #tpu.memory_space<hbm>>) target_semaphore(%run_scoped3A : memref<!tpu.dma_semaphore, #tpu.memory_space<semaphore_mem>>)
      %dma_wait3A_70 = tpu.memref_slice %arg8[%mul3A_67] : memref<8192xi32, #tpu.memory_space<hbm>> -> memref<256xi32, #tpu.memory_space<hbm>>
      %dma_wait3A_71 = tpu.memref_slice %arg8[%mul3A_67] : memref<8192xi32, #tpu.memory_space<hbm>> -> memref<256xi32, #tpu.memory_space<hbm>>
      tpu.wait_dma2 semaphore(%run_scoped3A : memref<!tpu.dma_semaphore, #tpu.memory_space<semaphore_mem>>) src(%arg14 : memref<256xi32, #tpu.memory_space<vmem>>) dst(%dma_wait3A_71 : memref<256xi32, #tpu.memory_space<hbm>>)
      tpu.yield
    }) : () -> ()
    return
  }
}

</mosaic_0001>

<sc_bundles>
// kernel: _route.3.cloned.1.call-start
scs
__scs_entry_jumppad:
0x0: {  	(pc) =	sbr.rel $0x88, $3  }
0x1: {  	(tag) =	ssettag $0x0;
	lr =	simm.s32 $0x1  }
0x2: {  	[smem:$0x3F9D] =	sst lr;
	_ =	strace $0xD0000000  }
0x3: {  	_ = 	snop  }
0x4: {  	_ = 	snop  }
0x5: {  	_ = 	snop  }
0x6: {  	_ = 	snop  }
0x7: {  	_ = 	snop  }
__scs_overlays_trampoline_lowered:
0x8: {  	[smem:$0x3FAC] =	sst s0  }
0x9: {  	[smem:$0x3FAD] =	sst s1  }
0xa: {  	[smem:$0x3FAE] =	sst s2  }
0xb: {  	[smem:$0x3FAF] =	sst s3  }
0xc: {  	[smem:$0x3FB0] =	sst s4  }
0xd: {  	[smem:$0x3FB1] =	sst s5  }
0xe: {  	[smem:$0x3FB2] =	sst s6  }
0xf: {  	[smem:$0x3FB3] =	sst s7  }
0x10: {  	[smem:$0x3FB4] =	sst s8  }
0x11: {  	[smem:$0x3FB5] =	sst s9;
	s0 =	simm.s32 @!p0 $0x0  }
0x12: {  	s1 =	sld [smem:$0x3F9B];
	s0 =	simm.s32 @p0 $0x1  }
0x13: {  	[smem:$0x3FB6] =	sst s0;
	s0 =	simm.s32 @!p1 $0x0  }
0x14: {  	s2 =	sld [smem:$0x3F9A];
	s0 =	simm.s32 @p1 $0x1  }
0x15: {  	[smem:$0x3FB7] =	sst s0;
	s0 =	simm.s32 @!p2 $0x0  }
0x16: {  	s3 =	sld [smem:$0x3FDB];
	s0 =	simm.s32 @p2 $0x1  }
0x17: {  	s4 =	simm.s32 $0x1BF5;
	[smem:$0x3FB9] =	sst s0  }
0x18: {  	s0 =	sld [smem:$0x3F9C];
	_ =	swait.ge [sflag:s4], $0x0  }
0x19: {  	s7 =	sld [smem:$0x3F9D]  }
0x1a: {  	s8 =	sadd.s32 $0xFFFFE003, lr  }
0x1b: {  	s9 =	sadd.s32 $0xFFFFFEF7, lr;
	s5 =	simm.s32 $0xFFFFFFFF;
	p2 =	slt.u32 s8, $0xFFFFF086  }
0x1c: {  	p1 =	slt.u32 s9, $0xF7A;
	s5 =	simm.s32 @!p2 $0x0  }
0x1d: {  	s5 =	simm.s32 @p1 $0x1;
	p0 =	seq.s32 s7, s2  }
0x1e: {  	s7 =	smul.u32 @!p0 $0xF7A, s2;
	p2 =	seq.s32 @!p0 s5, $0x0  }
0x1f: {  	s9 =	smul.u32 $0xF7A, s1;
	s8 =	simm.s32 @!p0 $0x1BF5;
	p2 =	por !p2, p0  }
0x20: {  	[sflag:s8] =	ssyncset.s32 @!p0 $0xFFFFF086;
	s6 =	sadd.s32 @!p0 s3, s7;
	s7 =	simm.s32 @!p0 $0x108  }
0x21: {  	s3 =	sadd.s32 s3, s9;
	s6 =	sadd.s32 @!p0 $0x88, s6;
	s7 =	simm.s32 @p2 $0x1082  }
0x22: {  	[simem:s7], [sflag:s8] =	dma.local @!p0 [hbm:s6], $0xF7A  }
0x23: {  	s9 =	sor.u32 $0xD0000000, s2;
	s6 =	simm.s32 $0x108;
	_ =	swait.ge @!p0 [sflag:s8], $0x0  }
0x24: {  	s3 =	sadd.s32 $0x88, s3;
	s6 =	simm.s32 @!p1 $0x1082;
	[sflag:s4] =	ssyncset.s32 $0xFFFFF086  }
0x25: {  	[simem:s6], [sflag:s4] =	dma.local [hbm:s3], $0xF7A  }
0x26: {  	[smem:$0x3F9D] =	sst s1;
	(tag) =	ssettag s2;
	_ =	strace s9  }
0x27: {  	s1 =	sld [smem:$0x3FAD]  }
0x28: {  	s2 =	sld [smem:$0x3FAE]  }
0x29: {  	s4 =	sld [smem:$0x3FB0]  }
0x2a: {  	p0 =	seq.s32 s5, $0x0;
	s5 =	sld [smem:$0x3FB1]  }
0x2b: {  	s6 =	sld [smem:$0x3FB2]  }
0x2c: {  	s7 =	sld [smem:$0x3FB3]  }
0x2d: {  	s3 =	simm.s32 $0x108;
	s8 =	sld [smem:$0x3FB4]  }
0x2e: {  	s3 =	simm.s32 @!p0 $0x1082;
	s9 =	sld [smem:$0x3FB5]  }
0x2f: {  	lr =	sadd.s32 s0, s3;
	s0 =	sld [smem:$0x3FAC]  }
0x30: {  	s3 =	sld [smem:$0x3FAF]  }
0x31: {  	[smem:$0x3FB8] =	sst s10  }
0x32: {  	s10 =	sld [smem:$0x3FB6];
	_ =	sdelay $0x3  }
0x33: {  	p0 =	seq.s32 s10, $0x1;
	s10 =	sld [smem:$0x3FB8];
	_ =	sdelay $0x3  }
0x34: {  	[smem:$0x3FB8] =	sst s10  }
0x35: {  	s10 =	sld [smem:$0x3FB7];
	_ =	sdelay $0x3  }
0x36: {  	p1 =	seq.s32 s10, $0x1;
	s10 =	sld [smem:$0x3FB8];
	_ =	sdelay $0x3  }
0x37: {  	[smem:$0x3FB8] =	sst s10  }
0x38: {  	s10 =	sld [smem:$0x3FB9]  }
0x39: {  	_ = 	snop;
	(pc) =	sbr.ind lr, $3  }
0x3a: {  	_ = 	snop  }
0x3b: {  	_ = 	snop  }
0x3c: {  	p2 =	seq.s32 s10, $0x1;
	s10 =	sld [smem:$0x3FB8]  }
0x3d: {  	_ =	shalt  }
0x3e: {  	_ =	shalt  }
0x3f: {  	_ =	shalt  }
0x40: {  	_ =	shalt  }
0x41: {  	_ =	shalt  }
0x42: {  	_ =	shalt  }
0x43: {  	_ =	shalt  }
0x44: {  	_ =	shalt  }
0x45: {  	_ =	shalt  }
0x46: {  	_ =	shalt  }
0x47: {  	_ =	shalt  }
0x48: {  	_ =	shalt  }
0x49: {  	_ =	shalt  }
0x4a: {  	_ =	shalt  }
0x4b: {  	_ =	shalt  }
0x4c: {  	_ =	shalt  }
0x4d: {  	_ =	shalt  }
0x4e: {  	_ =	shalt  }
0x4f: {  	_ =	shalt  }
0x50: {  	_ =	shalt  }
0x51: {  	_ =	shalt  }
0x52: {  	_ =	shalt  }
0x53: {  	_ =	shalt  }
0x54: {  	_ =	shalt  }
0x55: {  	_ =	shalt  }
0x56: {  	_ =	shalt  }
0x57: {  	_ =	shalt  }
0x58: {  	_ =	shalt  }
0x59: {  	_ =	shalt  }
0x5a: {  	_ =	shalt  }
0x5b: {  	_ =	shalt  }
0x5c: {  	_ =	shalt  }
0x5d: {  	_ =	shalt  }
0x5e: {  	_ =	shalt  }
0x5f: {  	_ =	shalt  }
0x60: {  	_ =	shalt  }
0x61: {  	_ =	shalt  }
0x62: {  	_ =	shalt  }
0x63: {  	_ =	shalt  }
0x64: {  	_ =	shalt  }
0x65: {  	_ =	shalt  }
0x66: {  	_ =	shalt  }
0x67: {  	_ =	shalt  }
0x68: {  	_ =	shalt  }
0x69: {  	_ =	shalt  }
0x6a: {  	_ =	shalt  }
0x6b: {  	_ =	shalt  }
0x6c: {  	_ =	shalt  }
0x6d: {  	_ =	shalt  }
0x6e: {  	_ =	shalt  }
0x6f: {  	_ =	shalt  }
0x70: {  	_ =	shalt  }
0x71: {  	_ =	shalt  }
0x72: {  	_ =	shalt  }
0x73: {  	_ =	shalt  }
0x74: {  	_ =	shalt  }
0x75: {  	_ =	shalt  }
0x76: {  	_ =	shalt  }
0x77: {  	_ =	shalt  }
0x78: {  	_ =	shalt  }
0x79: {  	_ =	shalt  }
0x7a: {  	_ =	shalt  }
0x7b: {  	_ =	shalt  }
0x7c: {  	_ =	shalt  }
0x7d: {  	_ =	shalt  }
0x7e: {  	_ =	shalt  }
0x7f: {  	_ =	shalt  }
0x80: {  	_ =	shalt  }
0x81: {  	_ =	shalt  }
0x82: {  	_ =	shalt  }
0x83: {  	_ =	shalt  }
0x84: {  	_ =	shalt  }
0x85: {  	_ =	shalt  }
0x86: {  	_ =	shalt  }
0x87: {  	_ =	shalt  }
.Lfunc_end0:
.L_simem_size_0:
called_computation_lowered:
.L_overlay_start_0:
0x88: {  	s2 =	sld [smem:$0x3FD9]  }
0x89: {  	s3 =	sld [smem:$0x3FFE];
	_ =	sdelay $0x1  }
0x8a: {  	s1 =	srdreg.scid  }
0x8b: {  	s0 =	sand.u32 $0x1, s1  }
0x8c: {  	s15 =	sshll.u32 s0, $0xA;
	s2 =	sadd.s32 s3, s2  }
0x8d: {  	s2 =	sadd.s32 s2, s15  }
0x8e: {  	[smem:$0x3FC4] =	sst s2  }
0x8f: {  	_ = 	snop  }
0x90: {  	s2 =	sld [smem:$0x3FC9]  }
0x91: {  	s16 =	sld [smem:$0x3FD0]  }
0x92: {  	s4 =	sld [smem:$0x3FC8]  }
0x93: {  	s5 =	sld [smem:$0x3FC7]  }
0x94: {  	s7 =	simm.s32 $0xA;
	s8 =	simm.s32 $0x10;
	s6 =	sld [smem:$0x3FC6]  }
0x95: {  	[smem:s8], [sflag:s7] =	dma.local [hbm:s16], $0x1  }
0x96: {  	_ =	swait.eq [sflag:s7], $0x1  }
0x97: {  	s17 =	sld [smem:$0x10];
	[sflag:s7] =	ssyncset.done $0x0  }
0x98: {  	s18 =	sld [smem:$0x11];
	[sflag:s7] =	ssyncadd.s32 $0xFFFFFFFF  }
0x99: {  	s19 =	sld [smem:$0x12];
	(tm) =	ssettm $0x1  }
0x9a: {  	s9 =	sld [smem:$0x3FFB];
	_ =	sdelay $0x3  }
0x9b: {  	_ =	strace s9  }
0x9c: {  	s9 =	sld [smem:$0x3FFC];
	_ =	sdelay $0x3  }
0x9d: {  	_ =	strace s9  }
0x9e: {  	s9 =	sld [smem:$0x3FFD];
	_ =	sdelay $0x3  }
0x9f: {  	_ =	strace s9  }
0xa0: {  	_ =	strace $0x8FFFFFFF  }
0xa1: {  	s20 =	sld [smem:$0x3FDB];
	_ =	sdelay $0x1  }
0xa2: {  	s10 =	simm.s32 $_scs_section_size  }
0xa3: {  	s11 =	simm.s32 $_size__tile_overlayer_lowered;
	s12 =	simm.s32 $_tile_overlayer_lowered  }
0xa4: {  	s23 =	simm.s32 $0x1BFF;
	s22 =	sshll.u32 s12, $0x1;
	s9 =	sadd.s32 s10, s20  }
0xa5: {  	s13 =	simm.s32 $0x0;
	s21 =	sshll.u32 s11, $0x1;
	s11 =	sadd.s32 s22, s9  }
0xa6: {  	[timem:s13], [sflag:s23] =	dma.local [hbm:s11], s21  }
0xa7: {  	_ =	swait.ge [sflag:s23], s21  }
0xa8: {  	s10 =	ssub.s32 $0x0, s21;
	[sflag:s23] =	ssyncset.done $0x0  }
0xa9: {  	[sflag:s23] =	ssyncadd.s32 s10;
	_ =	sdelay $0x1  }
0xaa: {  	s24 =	simm.s32 $0x1B8B  }
0xab: {  	_ =	swait.ge [sflag:s24], $0x1  }
0xac: {  	[sflag:s24] =	ssyncset.done $0x0  }
0xad: {  	s25 =	simm.s32 $0x1B8E;
	[sflag:s24] =	ssyncadd.s32 $0xFFFFFFFF  }
0xae: {  	s26 =	simm.s32 $execute0_lowered;
	[smem:$0x3FD2] =	sst s25  }
0xaf: {  	s10 =	sshll.u32 s26, $0x1;
	_ =	strace $0x80000046;
	[dreg:$0x1] =	wrdreg $0xFFFFFFFF  }
0xb0: {  	s28 =	simm.s32 $_size_execute0_lowered;
	s9 =	sadd.s32 s9, s10;
	[dreg:$0x0] =	wrdreg $0x0  }
0xb1: {  	s10 =	sshll.u32 s28, $0x1;
	[dreg:$0x2] =	wrdreg s9  }
0xb2: {  	[dreg:$0x3] =	wrdreg s10  }
0xb3: {  	[dreg:$0x4] =	wrdreg $0xC0  }
0xb4: {  	_ =	task [dreg:s13], $0x5FFFF  }
0xb5: {  	[dreg:$0x1] =	wrdreg $0xFFFFFFFF  }
0xb6: {  	[dreg:$0x0] =	wrdreg $0x60  }
0xb7: {  	[dreg:$0x2] =	wrdreg s2  }
0xb8: {  	[dreg:$0x3] =	wrdreg s4  }
0xb9: {  	[dreg:$0x4] =	wrdreg s5  }
0xba: {  	[dreg:$0x5] =	wrdreg s6  }
0xbb: {  	[dreg:$0x6] =	wrdreg s17  }
0xbc: {  	[dreg:$0x7] =	wrdreg s18  }
0xbd: {  	[dreg:$0x8] =	wrdreg s19  }
0xbe: {  	[dreg:$0x9] =	wrdreg $0x9  }
0xbf: {  	_ =	task.clear_ibuf [dreg:s13], $0xAFFFF;
	_ =	strace $0x90000046  }
0xc0: {  	s29 =	simm.s32 $0x9;
	_ =	strace $0x80000048  }
0xc1: {  	_ =	swait.ge [sflag:s29], $0x1  }
0xc2: {  	[sflag:s29] =	ssyncadd.s32 $0xFFFFFFFF  }
0xc3: {  	_ =	strace $0x90000048  }
0xc4: {  	_ =	sfence  }
0xc5: {  	s30 =	sld [smem:$0x0];
	_ =	sdelay $0x2  }
0xc6: {  	s31 =	sshll.u32 s1, $0xD;
	s1 =	sshrl.u32 s1, $0x2  }
0xc7: {  	s3 =	sand.u32 $0x4000, s31;
	s1 =	sadd.s32 s1, s30  }
0xc8: {  	s0 =	sor.u32 s3, s0;
	s1 =	sshll.u32 s1, $0x11  }
0xc9: {  	s0 =	sor.u32 s1, s0  }
0xca: {  	s0 =	sadd.s32 $0x8F2B, s0  }
0xcb: {  	[sflag:s0] =	ssyncadd.remote.s32 $0x1  }
0xcc: {  	_ =	sfence.sel $0xFFFF  }
0xcd: {  	[dreg:$0x0] =	wrdreg $0xFFFFFFFF;
	(pc) =	sbr.abs _section_cstart, $3  }
0xce: {  	[dreg:$0x1] =	wrdreg $0xFFFFFFFF  }
0xcf: {  	_ =	task.clear_ibuf [dreg:s13], $0x2FFFF;
	_ =	strace $0x9FFFFFFF  }
0xd0: {  	(tm) =	ssettm $0x7FFFFFFF  }
0xd1: {  	_ =	shalt  }
tec
execute0_lowered:
.L_overlay_start_1:
0x0: {  	(tag) =	ssettag $0x1  }
0x1: {  	s6 =	rddreg [dreg:$0x0]  }
0x2: {  	s0 =	rddreg [dreg:$0x1]  }
0x3: {  	s2 =	rddreg [dreg:$0x2]  }
0x4: {  	s3 =	rddreg [dreg:$0x3]  }
0x5: {  	s7 =	rddreg [dreg:$0x4];
	s4 =	srdreg.scid  }
0x6: {  	s1 =	stileid.u32;
	s8 =	rddreg [dreg:$0x5]  }
0x7: {  	s10 =	rddreg [dreg:$0x6];
	s5 =	simm.s32 $0x0;
	s17 =	simm.s32 $0x5180  }
0x8: {  	s19 =	simm.s32 $0x4F00;
	s20 =	simm.s32 $0x9180;
	s21 =	simm.s32 $0x4F80  }
0x9: {  	s22 =	simm.s32 $0x5080;
	s23 =	simm.s32 $0x0;
	s9 =	sand.u32 $0x1, s4  }
0xa: {  	s29 =	sshll.u32 s1, $0x1;
	s4 =	rddreg [dreg:$0x7];
	s30 =	smul.u32 $0x1880, s1  }
0xb: {  	[smem:$0x7FF] =	sst s5;
	s11 =	sor.u32 s9, s29;
	s16 =	smul.u32 $0xC40, s9  }
0xc: {  	s13 =	ssub.s32 $0x2, s9;
	_ =	strace $0x80000047;
	s12 =	smul.u32 $0xC40, s11  }
0xd: {  	s14 =	sshrl.u32 s13, $0x1;
	s31 =	sshll.u32 s11, $0xC;
	s15 =	sshll.u32 s11, $0x5  }
0xe: {  	s18 =	smul.u32 $0xFFFFF9E0, s11;
	s13 =	ssub.s32 s13, s14;
	s7 =	sadd.s32 s7, s31  }
0xf: {  	s8 =	sadd.s32 s8, s15;
	s9 =	sadd.s32 s10, s15;
	s11 =	sadd.s32 s16, s30  }
0x10: {  	s14 =	simm.s32 $0x4C80;
	s15 =	simm.s32 $0x80;
	s16 =	simm.s32 $0x4E80  }
0x11: {  	v1 =	vimm.s32 $0x1;
	v2 =	vimm.s32 $0x0;
	v3 =	vimm.s32 $0xFFFFFFFF;
	s12 =	sshrl.u32 s12, $0x3;
	s10 =	smax.u32 s13, $0x1;
	s13 =	simm.s32 $0x2  }
0x12: {  	v4 =	vlaneseq.u32;
	vm0 =	vmxor vm0, vm0;
	v0 =	vmov s18;
	s18 =	simm.s32 $0x1;
	s6 =	sadd.s32 s6, s12;
	s12 =	simm.s32 $0x4000  }
.LBB2_1:
0x13: {  	[tilespmem:s12], [sflag:$0x2] =	stream.linear.gather [hbm4b:s6+s5], $0xC40, $0x38;
	[tilespmem:$0xD180] =	vst v63  }
0x14: {  	_ =	swait.ge [sflag:s13], $0xC40  }
0x15: {  	[sflag:s13] =	ssyncset.done $0x0  }
0x16: {  	[sflag:s13] =	ssyncadd.s32 $0xFFFFF3C0  }
0x17: {  	[tilespmem:s14], [sflag:$0x2] =	stream.linear.gather [hbm4b:s0+s5], $0x200, $0x38;
	[tilespmem:$0xD180] =	vst v63  }
0x18: {  	_ =	swait.ge [sflag:s13], $0x200  }
0x19: {  	[sflag:s13] =	ssyncset.done $0x0  }
0x1a: {  	[sflag:s13] =	ssyncadd.s32 $0xFFFFFE00  }
0x1b: {  	[tilespmem:s5], [sflag:$0x2] =	stream.linear.gather [hbm4b:s2+s5], $0x4000, $0x38;
	[tilespmem:$0xD180] =	vst v63  }
0x1c: {  	_ =	swait.ge [sflag:s13], $0x4000  }
0x1d: {  	[sflag:s13] =	ssyncset.done $0x0  }
0x1e: {  	s25 =	simm.s32 $0x0;
	s24 =	simm.s32 $0x40;
	[sflag:s13] =	ssyncadd.s32 $0xFFFFC000  }
.LBB2_2:
0x1f: {  	p0 =	sne.s32 s24, $0x7C0;
	v5 =	vld [tilespmem:s25+$0x4C80];
	_ =	sdelay $0x4  }
0x20: {  	v5 =	vand.u32 $0x3FFF, v5  }
.Ltmp0:
0x21: {  	(pc) =	sbr.rel @p0 .LBB2_2-.Ltmp0, $2  }
0x22: {  	_ =	sdelay $0x2  }
0x23: {  	s25 =	sshra.s32 s24, $0x2;
	s24 =	sadd.s32 $0x40, s24;
	[tilespmem:v5+s5+$0x0] =	vst.idx.msk $0xffff, v1  }
0x24: {  	v5 =	vld [tilespmem:s25+$0x4C80];
	_ =	sdelay $0x4  }
0x25: {  	v5 =	vand.u32 $0x3FFF, v5;
	_ =	sdelay $0x4  }
0x26: {  	[tilespmem:v5+s5+$0x0] =	vst.idx.msk $0xffff, v1  }
0x27: {  	[tilespmem:$0x4E80] =	vst v2  }
0x28: {  	[tilespmem:$0x4F80] =	vst v3  }
0x29: {  	[tilespmem:$0x5080] =	vst v3  }
0x2a: {  	[tilespmem:$0x4E90] =	vst v2  }
0x2b: {  	[tilespmem:$0x4F90] =	vst v3  }
0x2c: {  	[tilespmem:$0x5090] =	vst v3  }
0x2d: {  	[tilespmem:$0x4EA0] =	vst v2  }
0x2e: {  	[tilespmem:$0x4FA0] =	vst v3  }
0x2f: {  	[tilespmem:$0x50A0] =	vst v3  }
0x30: {  	[tilespmem:$0x4EB0] =	vst v2  }
0x31: {  	[tilespmem:$0x4FB0] =	vst v3  }
0x32: {  	[tilespmem:$0x50B0] =	vst v3  }
0x33: {  	[tilespmem:$0x4EC0] =	vst v2  }
0x34: {  	[tilespmem:$0x4FC0] =	vst v3  }
0x35: {  	[tilespmem:$0x50C0] =	vst v3  }
0x36: {  	[tilespmem:$0x4ED0] =	vst v2  }
0x37: {  	[tilespmem:$0x4FD0] =	vst v3  }
0x38: {  	[tilespmem:$0x50D0] =	vst v3  }
0x39: {  	[tilespmem:$0x4EE0] =	vst v2  }
0x3a: {  	[tilespmem:$0x4FE0] =	vst v3  }
0x3b: {  	[tilespmem:$0x50E0] =	vst v3  }
0x3c: {  	[tilespmem:$0x4EF0] =	vst v2  }
0x3d: {  	[tilespmem:$0x4FF0] =	vst v3  }
0x3e: {  	[tilespmem:$0x50F0] =	vst v3  }
0x3f: {  	[tilespmem:$0x4F00] =	vst v2  }
0x40: {  	[tilespmem:$0x5000] =	vst v3  }
0x41: {  	[tilespmem:$0x5100] =	vst v3  }
0x42: {  	[tilespmem:$0x4F10] =	vst v2  }
0x43: {  	[tilespmem:$0x5010] =	vst v3  }
0x44: {  	[tilespmem:$0x5110] =	vst v3  }
0x45: {  	[tilespmem:$0x4F20] =	vst v2  }
0x46: {  	[tilespmem:$0x5020] =	vst v3  }
0x47: {  	[tilespmem:$0x5120] =	vst v3  }
0x48: {  	[tilespmem:$0x4F30] =	vst v2  }
0x49: {  	[tilespmem:$0x5030] =	vst v3  }
0x4a: {  	[tilespmem:$0x5130] =	vst v3  }
0x4b: {  	[tilespmem:$0x4F40] =	vst v2  }
0x4c: {  	[tilespmem:$0x5040] =	vst v3  }
0x4d: {  	[tilespmem:$0x5140] =	vst v3  }
0x4e: {  	[tilespmem:$0x4F50] =	vst v2  }
0x4f: {  	[tilespmem:$0x5050] =	vst v3  }
0x50: {  	[tilespmem:$0x5150] =	vst v3  }
0x51: {  	[tilespmem:$0x4F60] =	vst v2  }
0x52: {  	[tilespmem:$0x5060] =	vst v3  }
0x53: {  	[tilespmem:$0x5160] =	vst v3  }
0x54: {  	[tilespmem:$0x4F70] =	vst v2  }
0x55: {  	[tilespmem:$0x5070] =	vst v3  }
0x56: {  	s24 =	simm.s32 $0x0;
	[tilespmem:$0x5170] =	vst v3  }
0x57: {  	v5 =	vld [tilespmem:s24+$0x4000];
	_ =	sdelay $0x4  }
0x58: {  	vm1 =	vgt.s32 v5, $0x0  }
0x59: {  	v6 =	vnsel vm1, $0x0, v5  }
0x5a: {  	v6 =	vand.u32 $0x3FFF, v6;
	_ =	sdelay $0x4  }
0x5b: {  	v6 =	vld.idx.msk [tilespmem:v6+s5+$0x0], $0xffff;
	_ =	sdelay $0x4  }
0x5c: {  	p0 =	por $0x1, $0x1;
	vm3 =	vmmov vm0;
	vm2 =	vgt.s32 v5, $0xFFFFFFFF;
	vm1 =	vgt.s32 v6, $0x0  }
0x5d: {  	vm3 =	vmneg @p0 vm3;
	vm1 =	vmand vm2, vm1  }
0x5e: {  	vm1 =	vmand vm3, vm1  }
0x5f: {  	v5 =	vmpcnt.ones.xlane vm1;
	_ =	sdelay $0x1  }
0x60: {  	v5 =	vxor.u32 $0x80000000, v5  }
0x61: {  	(xrf0) =	vmax.scan.msk.u32 $0xffff, v5;
	_ =	sdelay $0x1  }
0x62: {  	v5 =	vor.u32 s11, v4  }
0x63: {  	v5 =	vshrl.u32 v5, $0x1  }
0x64: {  	s24 =	simm.s32 $0x0  }
0x65: {  	s25 =	simm.s32 $0x0;
	s24 =	simm.s32 @!p0 $0xF0  }
0x66: {  	s28 =	simm.s32 $0x10;
	s26 =	simm.s32 $0x80;
	[tilespmem:s24+$0x4E80] =	vst.msk vm1, v5;
	s24 =	smov.u32 s11;
	v5, _, _ =	vpop (xrf0)  }
.LBB2_4:
0x67: {  	p0 =	sne.s32 s26, $0x30C0;
	v6 =	vld [tilespmem:s28+$0x4000];
	(v2sf) =	vpush v5, $0xF;
	_ =	sdelay $0x4  }
0x68: {  	vm1 =	vgt.s32 v6, $0x0  }
0x69: {  	v5 =	vnsel vm1, $0x0, v6  }
0x6a: {  	v5 =	vand.u32 $0x3FFF, v5;
	_ =	sdelay $0x4  }
0x6b: {  	v5 =	vld.idx.msk [tilespmem:v5+s5+$0x0], $0xffff;
	_ =	sdelay $0x2  }
0x6c: {  	s28 =	spop (v2sf)  }
0x6d: {  	s25 =	sadd.s32 s28, s25  }
0x6e: {  	vm2 =	vgt.s32 v6, $0xFFFFFFFF;
	s25 =	sadd.s32 $0x80000000, s25;
	vm1 =	vgt.s32 v5, $0x0  }
0x6f: {  	s24 =	sadd.s32 $0x10, s24;
	p1 =	slt.s32 s25, $0xF0;
	vm1 =	vmand vm2, vm1;
	vm2 =	vmmov vm0;
	s28 =	smov.u32 s25  }
0x70: {  	v5 =	vor.u32 s24, v4;
	vm2 =	vmneg @p1 vm2;
	s28 =	simm.s32 @!p1 $0xF0  }
0x71: {  	v5 =	vshrl.u32 v5, $0x1;
	vm1 =	vmand vm2, vm1  }
0x72: {  	[tilespmem:s28+$0x4E80] =	vst.msk vm1, v5;
	v5 =	vmpcnt.ones.xlane vm1;
	_ =	sdelay $0x1  }
0x73: {  	v5 =	vxor.u32 $0x80000000, v5  }
0x74: {  	(xrf0) =	vmax.scan.msk.u32 $0xffff, v5;
	_ =	sdelay $0x1  }
.Ltmp1:
0x75: {  	(pc) =	sbr.rel @p0 .LBB2_4-.Ltmp1, $2  }
0x76: {  	_ =	sdelay $0x2  }
0x77: {  	s28 =	sshra.s32 s26, $0x2;
	s26 =	sadd.s32 $0x40, s26;
	v5, _, _ =	vpop (xrf0)  }
0x78: {  	(v2sf) =	vpush v5, $0xF  }
0x79: {  	v5 =	vld [tilespmem:s28+$0x4000];
	_ =	sdelay $0x4  }
0x7a: {  	vm1 =	vgt.s32 v5, $0x0  }
0x7b: {  	v6 =	vnsel vm1, $0x0, v5  }
0x7c: {  	v6 =	vand.u32 $0x3FFF, v6;
	_ =	sdelay $0x4  }
0x7d: {  	v6 =	vld.idx.msk [tilespmem:v6+s5+$0x0], $0xffff;
	_ =	sdelay $0x1  }
0x7e: {  	s26 =	spop (v2sf)  }
0x7f: {  	s25 =	sadd.s32 s26, s25  }
0x80: {  	s25 =	sadd.s32 $0x80000000, s25  }
0x81: {  	vm3 =	vmmov vm0;
	vm2 =	vgt.s32 v5, $0xFFFFFFFF;
	vm1 =	vgt.s32 v6, $0x0;
	p0 =	slt.s32 s25, $0xF0  }
0x82: {  	vm1 =	vmand vm2, vm1;
	vm3 =	vmneg @p0 vm3  }
0x83: {  	vm1 =	vmand vm3, vm1  }
0x84: {  	v5 =	vmpcnt.ones.xlane vm1;
	_ =	sdelay $0x1  }
0x85: {  	v5 =	vxor.u32 $0x80000000, v5  }
0x86: {  	(xrf0) =	vmax.scan.msk.u32 $0xffff, v5;
	_ =	sdelay $0x3  }
0x87: {  	s24 =	sadd.s32 $0x10, s24  }
0x88: {  	v5 =	vor.u32 s24, v4;
	s24 =	smov.u32 s25  }
0x89: {  	s24 =	simm.s32 @!p0 $0xF0;
	v5 =	vshrl.u32 v5, $0x1;
	v6, _, _ =	vpop (xrf0)  }
0x8a: {  	[tilespmem:s24+$0x4E80] =	vst.msk vm1, v5;
	s24 =	simm.s32 $0x4E80;
	(v2sf) =	vpush v6, $0xF  }
0x8b: {  	v5 =	vld [tilespmem:s24+$0x0];
	_ =	sdelay $0x4  }
0x8c: {  	v5 =	vadd.s32 v0, v5  }
0x8d: {  	v5 =	vshll.u32 v5, $0x1  }
0x8e: {  	vm1 =	vgt.s32 v5, $0x0  }
0x8f: {  	v5 =	vnsel vm1, $0x0, v5  }
0x90: {  	v5 =	vmin.u32 v5, $0xC3E  }
0x91: {  	v6 =	vor.u32 $0x1, v5;
	_ =	sdelay $0x3  }
0x92: {  	v7 =	vld.idx.msk [tilespmem:v5+s12+$0x0], $0xffff;
	s30 =	spop (v2sf)  }
0x93: {  	v6 =	vld.idx.msk [tilespmem:v6+s12+$0x0], $0xffff;
	s25 =	sadd.s32 s30, s25  }
0x94: {  	s31 =	simm.s32 $0x0;
	s25 =	sadd.s32 $0x80000000, s25  }
0x95: {  	v8 =	vor.u32 s31, v4;
	v5 =	vmov s25  }
0x96: {  	vm1 =	vlt.s32 v8, v5  }
0x97: {  	s25 =	simm.s32 $0x4F80;
	v7 =	vnsel vm1, $0xFFFFFFFF, v7  }
0x98: {  	s28 =	simm.s32 $0x10;
	s26 =	simm.s32 $0x5080;
	v6 =	vnsel vm1, $0xFFFFFFFF, v6;
	[tilespmem:s25+$0x0] =	vst v7  }
.LBB2_6:
0x99: {  	[tilespmem:s26+$0x0] =	vst v6;
	s24 =	sadd.s32 $0x10, s24;
	s25 =	sadd.s32 $0x10, s25;
	s26 =	sadd.s32 $0x10, s26  }
0x9a: {  	p0 =	sne.s32 s28, $0xF0;
	s29 =	smov.u32 s28;
	s28 =	sadd.s32 $0x10, s28;
	v6 =	vld [tilespmem:s24+$0x0]  }
0x9b: {  	_ =	sdelay $0x3  }
0x9c: {  	v6 =	vadd.s32 v0, v6  }
0x9d: {  	v6 =	vshll.u32 v6, $0x1  }
0x9e: {  	vm1 =	vgt.s32 v6, $0x0  }
0x9f: {  	v6 =	vnsel vm1, $0x0, v6  }
0xa0: {  	v6 =	vmin.u32 v6, $0xC3E  }
0xa1: {  	v7 =	vor.u32 $0x1, v6;
	_ =	sdelay $0x3  }
0xa2: {  	v6 =	vld.idx.msk [tilespmem:v6+s12+$0x0], $0xffff  }
0xa3: {  	v7 =	vld.idx.msk [tilespmem:v7+s12+$0x0], $0xffff;
	_ =	sdelay $0x1  }
.Ltmp2:
0xa4: {  	(pc) =	sbr.rel @p0 .LBB2_6-.Ltmp2, $4  }
0xa5: {  	v8 =	vor.u32 s29, v4  }
0xa6: {  	vm1 =	vlt.s32 v8, v5  }
0xa7: {  	v6 =	vnsel vm1, $0xFFFFFFFF, v6  }
0xa8: {  	[tilespmem:s25+$0x0] =	vst v6;
	v6 =	vnsel vm1, $0xFFFFFFFF, v7  }
0xa9: {  	[tilespmem:s26+$0x0] =	vst v6  }
0xaa: {  	[tilespmem:s17], [sflag:$0x1] =	stream.indirect.gather [hbm4b:s3+s15], $0x80, s16, s15, $0xb8;
	[tilespmem:$0xD180] =	vst v63  }
0xab: {  	_ =	swait.ge [sflag:s18], $0x4000  }
0xac: {  	[sflag:s18] =	ssyncset.done $0x0  }
0xad: {  	[sflag:s18] =	ssyncadd.s32 $0xFFFFC000  }
0xae: {  	[tilespmem:s20], [sflag:$0x1] =	stream.indirect.gather [hbm4b:s3+s15], $0x80, s19, s15, $0xb8;
	[tilespmem:$0xD180] =	vst v63  }
0xaf: {  	_ =	swait.ge [sflag:s18], $0x4000  }
0xb0: {  	[sflag:s18] =	ssyncset.done $0x0  }
0xb1: {  	[sflag:s18] =	ssyncadd.s32 $0xFFFFC000  }
0xb2: {  	[hbm4b:s7+s5] =	stream.linear.scatter [tilespmem:s17], [sflag:$0x2], $0x8000, $0x38;
	[tilespmem:$0xD180] =	vst v63  }
0xb3: {  	_ =	swait.ge [sflag:s13], $0x8000  }
0xb4: {  	[sflag:s13] =	ssyncset.done $0x0  }
0xb5: {  	[sflag:s13] =	ssyncadd.s32 $0xFFFF8000  }
0xb6: {  	[hbm4b:s8+s5] =	stream.linear.scatter [tilespmem:s21], [sflag:$0x2], $0x100, $0x38;
	[tilespmem:$0xD180] =	vst v63  }
0xb7: {  	s23 =	sadd.s32 $0x1, s23;
	_ =	swait.ge [sflag:s13], $0x100  }
0xb8: {  	p0 =	sne.s32 s23, s10;
	[sflag:s13] =	ssyncset.done $0x0  }
.Ltmp3:
0xb9: {  	[sflag:s13] =	ssyncadd.s32 $0xFFFFFF00;
	(pc) =	sbr.rel @p0 .LBB2_1-.Ltmp3, $4  }
0xba: {  	[hbm4b:s9+s5] =	stream.linear.scatter [tilespmem:s22], [sflag:$0x2], $0x100, $0x38;
	[tilespmem:$0xD180] =	vst v63  }
0xbb: {  	_ =	swait.ge [sflag:s13], $0x100  }
0xbc: {  	[sflag:s13] =	ssyncset.done $0x0  }
0xbd: {  	[sflag:s13] =	ssyncadd.s32 $0xFFFFFF00  }
0xbe: {  	_ =	sfence.sel $0x180000  }
0xbf: {  	[bflag:$0x0] =	sbarrier.arrive $0xFFFF  }
0xc0: {  	p0 =	sne.s32 s1, $0x0;
	_ =	strace $0x90000047  }
0xc1: {  	s0 =	sadd.s32 @!p0 $0x100000, s4;
	[bflag:$0x2] =	sbarrier.arrive $0xFFFF  }
0xc2: {  	[sflag:s0] =	ssyncadd.tile.s32 @!p0 $0x1;
	_ =	shalt  }
.Lfunc_end2:
_tile_overlayer_lowered:
.L_overlay_start_2:
0xc3: {  	(tag) =	ssettag $0x2  }
0xc4: {  	s0 =	rddreg [dreg:$0x0];
	s2 =	stileid.u32  }
0xc5: {  	s1 =	rddreg [dreg:$0x1];
	p0 =	sne.s32 s2, $0x0  }
0xc6: {  	s3 =	rddreg [dreg:$0x2];
	[bflag:$0x3] =	sbarrier.arrive $0xFFFF;
	s2 =	simm.s32 @!p0 $0x1C02  }
0xc7: {  	[timem:s3], [sflag:s2] =	dma.local @!p0 [hbm:s0], s1  }
0xc8: {  	s0 =	simm.s32 @!p0 $0x2  }
0xc9: {  	_ =	swait.ge @!p0 [sflag:s0], s1  }
0xca: {  	s1 =	ssub.s32 @!p0 $0x0, s1;
	[sflag:s0] =	ssyncset.done @!p0 $0x0  }
0xcb: {  	[sflag:s0] =	ssyncadd.s32 @!p0 s1  }
0xcc: {  	[bflag:$0x3] =	sbarrier.arrive $0xFFFF  }
0xcd: {  	_ =	shalt  }

</sc_bundles>
